<compile_context>
chip_gen: v7x
topology: tpu7x:2x2x1
jax: 0.10.2.dev20260603
libtpu: 0.0.44.dev20260713+nightly
codegen_flags: <defaults>
</compile_context>

<pallas_src>
import functools

import jax
import jax.numpy as jnp
from jax import lax
from jax.experimental import pallas as pl
from jax.experimental.pallas import tpu as pltpu
from jax.experimental.pallas import tpu_sc as plsc

_L = 16
_T = 8


def _pad_width(w):
    return (w + _T - 1) // _T * _T


def kernel(store_idx, menu_idx, holiday_idx, W_store, W_menu, W_holiday):
    B = store_idx.shape[0]
    Ds = W_store.shape[1]
    Dm = W_menu.shape[1]
    Dh = W_holiday.shape[1]
    D = Ds + Dm + Dh
    Dsp, Dmp, Dhp = _pad_width(Ds), _pad_width(Dm), _pad_width(Dh)

    info = plsc.get_sparse_core_info()
    NW = info.num_cores * info.num_subcores
    bpw = B // NW

    mesh = plsc.VectorSubcoreMesh(core_axis_name="c", subcore_axis_name="s")

    @functools.partial(
        pl.kernel,
        mesh=mesh,
        out_type=jax.ShapeDtypeStruct((B, D), jnp.float32),
        compiler_params=pltpu.CompilerParams(use_tc_tiling_on_sc=False,
                                             needs_layout_passes=False),
        scratch_types=[
            pltpu.VMEM((bpw,), jnp.int32),
            pltpu.VMEM((bpw,), jnp.int32),
            pltpu.VMEM((bpw,), jnp.int32),
            pltpu.VMEM((bpw, Dsp), jnp.float32),
            pltpu.VMEM((bpw, Dmp), jnp.float32),
            pltpu.VMEM((bpw, Dhp), jnp.float32),
            pltpu.VMEM((bpw, D), jnp.float32),
            pltpu.SemaphoreType.DMA,
            pltpu.SemaphoreType.DMA,
            pltpu.SemaphoreType.DMA,
        ],
    )
    def emb_kernel(s_idx, m_idx, h_idx, ws, wm, wh, out,
                   si_v, mi_v, hi_v, sr_v, mr_v, hr_v, cat_v,
                   sem1, sem2, sem3):
        wid = lax.axis_index("s") * info.num_cores + lax.axis_index("c")
        base = wid * bpw
        pltpu.sync_copy(s_idx.at[pl.ds(base, bpw)], si_v)
        pltpu.sync_copy(m_idx.at[pl.ds(base, bpw)], mi_v)
        pltpu.sync_copy(h_idx.at[pl.ds(base, bpw)], hi_v)
        c1 = pltpu.async_copy(ws.at[si_v], sr_v, sem1)
        c2 = pltpu.async_copy(wm.at[mi_v], mr_v, sem2)
        c3 = pltpu.async_copy(wh.at[hi_v], hr_v, sem3)

        def windows(width):
            w = list(range(0, max(width - _L, 0) + 1, _L))
            if w[-1] != width - _L:
                w.append(width - _L)
            return w

        def assemble(src_v, width, col0):
            offs = windows(width)

            def body(r, _):
                for c0 in offs:
                    cat_v[r, pl.ds(col0 + c0, _L)] = src_v[r, pl.ds(c0, _L)]
                return 0

            lax.fori_loop(0, bpw, body, 0)

        c1.wait()
        assemble(sr_v, Ds, 0)
        c2.wait()
        assemble(mr_v, Dm, Ds)
        c3.wait()
        assemble(hr_v, Dh, Ds + Dm)
        pltpu.sync_copy(cat_v, out.at[pl.ds(base, bpw)])

    pad = lambda w, wp: jnp.pad(w, ((0, 0), (0, wp - w.shape[1])))
    return emb_kernel(store_idx.astype(jnp.int32),
                      menu_idx.astype(jnp.int32),
                      holiday_idx.astype(jnp.int32),
                      pad(W_store, Dsp), pad(W_menu, Dmp), pad(W_holiday, Dhp))

# --- scband reference (transcript-rebuilt; emitter-appended) ---
"""Pipeline reference for scband-category-embeddings-24326694764946 (READ-ONLY COPY).

The authoritative reference and input builder live on the scoring server;
editing this copy changes nothing except your own understanding.
"""

import jax, jax.numpy as jnp
import numpy as np

NUM_STORE = 1000
NUM_MENU = 100000
NUM_HOLIDAY = 512
EMB_STORE = 20
EMB_MENU = 20
EMB_HOLIDAY = 50
BATCH = 16384


def setup_inputs(seed: int = 0) -> dict:
    key = jax.random.key(seed)
    k1, k2, k3, k4, k5, k6 = jax.random.split(key, 6)
    store_idx = jax.random.randint(k1, (BATCH,), 0, NUM_STORE, dtype=jnp.int64) if jax.config.read('jax_enable_x64') else jax.random.randint(k1, (BATCH,), 0, NUM_STORE, dtype=jnp.int32)
    menu_idx = jax.random.randint(k2, (BATCH,), 0, NUM_MENU, dtype=jnp.int32)
    holiday_idx = jax.random.randint(k3, (BATCH,), 0, NUM_HOLIDAY, dtype=jnp.int32)
    # Learned embedding tables (nn.Embedding default init ~ N(0,1))
    W_store = jax.random.normal(k4, (NUM_STORE, EMB_STORE), dtype=jnp.float32)
    W_menu = jax.random.normal(k5, (NUM_MENU, EMB_MENU), dtype=jnp.float32)
    W_holiday = jax.random.normal(k6, (NUM_HOLIDAY, EMB_HOLIDAY), dtype=jnp.float32)
    return {
        'store_idx': store_idx,
        'menu_idx': menu_idx,
        'holiday_idx': holiday_idx,
        'W_store': W_store,
        'W_menu': W_menu,
        'W_holiday': W_holiday,
    }


def reference(store_idx, menu_idx, holiday_idx, W_store, W_menu, W_holiday):
    # Faithful translation of CategoryEmbeddings.forward once indices are encoded:
    # three embedding lookups followed by concatenation along the feature dim.
    store_emb = jnp.take(W_store, store_idx, axis=0)
    menu_emb = jnp.take(W_menu, menu_idx, axis=0)
    holiday_emb = jnp.take(W_holiday, holiday_idx, axis=0)
    x_cat = jnp.concatenate([store_emb, menu_emb, holiday_emb], axis=1)
    return x_cat

if __name__ == "__main__":
    import jax
    _d = setup_inputs()
    print(jax.jit(kernel)(*tuple(_d.values())))

</pallas_src>

<mosaic_0001>
#map = affine_map<(d0, d1) -> (0)>
#map1 = affine_map<(d0, d1) -> (0, 0)>
module attributes {stable_mosaic.version = 14 : i64} {
  func.func @emb_kernel(%arg0: i32, %arg1: i32, %arg2: memref<16384xi32, #tpu.memory_space<hbm>>, %arg3: memref<16384xi32, #tpu.memory_space<hbm>>, %arg4: memref<16384xi32, #tpu.memory_space<hbm>>, %arg5: memref<1000x24xf32, #tpu.memory_space<hbm>>, %arg6: memref<100000x24xf32, #tpu.memory_space<hbm>>, %arg7: memref<512x56xf32, #tpu.memory_space<hbm>>, %arg8: memref<16384x90xf32, #tpu.memory_space<hbm>>, %arg9: memref<512xi32, #tpu.memory_space<vmem>>, %arg10: memref<512xi32, #tpu.memory_space<vmem>>, %arg11: memref<512xi32, #tpu.memory_space<vmem>>, %arg12: memref<512x24xf32, #tpu.memory_space<vmem>>, %arg13: memref<512x24xf32, #tpu.memory_space<vmem>>, %arg14: memref<512x56xf32, #tpu.memory_space<vmem>>, %arg15: memref<512x90xf32, #tpu.memory_space<vmem>>, %arg16: memref<!tpu.dma_semaphore, #tpu.memory_space<semaphore_mem>>, %arg17: memref<!tpu.dma_semaphore, #tpu.memory_space<semaphore_mem>>, %arg18: memref<!tpu.dma_semaphore, #tpu.memory_space<semaphore_mem>>) attributes {dimension_semantics = [#tpu.dimension_semantics<core_parallel>, #tpu.dimension_semantics<subcore_parallel>], iteration_bounds = array<i64: 2, 16>, scalar_prefetch = 0 : i64, scratch_operands = 10 : i64, tpu.core_type = #tpu.core_type<sc_vector_subcore>, window_params = [{transform_indices = #map}, {transform_indices = #map}, {transform_indices = #map}, {transform_indices = #map1}, {transform_indices = #map1}, {transform_indices = #map1}, {transform_indices = #map1}]} {
    %mul3A = arith.constant 2 : i32
    %mul3A_0 = arith.muli %arg1, %mul3A : i32
    %add3A = arith.addi %mul3A_0, %arg0 : i32
    %mul3A_1 = arith.constant 512 : i32
    %mul3A_2 = arith.muli %add3A, %mul3A_1 : i32
    "tpu.region"() ({
      %run_scoped3A = tpu.sem_alloc : memref<!tpu.dma_semaphore, #tpu.memory_space<semaphore_mem>>
      %dma_start3A_39 = tpu.memref_slice %arg2[%mul3A_2] : memref<16384xi32, #tpu.memory_space<hbm>> -> memref<512xi32, #tpu.memory_space<hbm>>
      %dma_start3A_40 = tpu.memref_slice %arg2[%mul3A_2] : memref<16384xi32, #tpu.memory_space<hbm>> -> memref<512xi32, #tpu.memory_space<hbm>>
      tpu.enqueue_dma source(%dma_start3A_40 : memref<512xi32, #tpu.memory_space<hbm>>) target(%arg9 : memref<512xi32, #tpu.memory_space<vmem>>) target_semaphore(%run_scoped3A : memref<!tpu.dma_semaphore, #tpu.memory_space<semaphore_mem>>)
      %dma_wait3A_41 = tpu.memref_slice %arg2[%mul3A_2] : memref<16384xi32, #tpu.memory_space<hbm>> -> memref<512xi32, #tpu.memory_space<hbm>>
      %dma_wait3A_42 = tpu.memref_slice %arg2[%mul3A_2] : memref<16384xi32, #tpu.memory_space<hbm>> -> memref<512xi32, #tpu.memory_space<hbm>>
      tpu.wait_dma2 semaphore(%run_scoped3A : memref<!tpu.dma_semaphore, #tpu.memory_space<semaphore_mem>>) src(%dma_wait3A_42 : memref<512xi32, #tpu.memory_space<hbm>>) dst(%arg9 : memref<512xi32, #tpu.memory_space<vmem>>)
      tpu.yield
    }) : () -> ()
    "tpu.region"() ({
      %run_scoped3A = tpu.sem_alloc : memref<!tpu.dma_semaphore, #tpu.memory_space<semaphore_mem>>
      %dma_start3A_39 = tpu.memref_slice %arg3[%mul3A_2] : memref<16384xi32, #tpu.memory_space<hbm>> -> memref<512xi32, #tpu.memory_space<hbm>>
      %dma_start3A_40 = tpu.memref_slice %arg3[%mul3A_2] : memref<16384xi32, #tpu.memory_space<hbm>> -> memref<512xi32, #tpu.memory_space<hbm>>
      tpu.enqueue_dma source(%dma_start3A_40 : memref<512xi32, #tpu.memory_space<hbm>>) target(%arg10 : memref<512xi32, #tpu.memory_space<vmem>>) target_semaphore(%run_scoped3A : memref<!tpu.dma_semaphore, #tpu.memory_space<semaphore_mem>>)
      %dma_wait3A_41 = tpu.memref_slice %arg3[%mul3A_2] : memref<16384xi32, #tpu.memory_space<hbm>> -> memref<512xi32, #tpu.memory_space<hbm>>
      %dma_wait3A_42 = tpu.memref_slice %arg3[%mul3A_2] : memref<16384xi32, #tpu.memory_space<hbm>> -> memref<512xi32, #tpu.memory_space<hbm>>
      tpu.wait_dma2 semaphore(%run_scoped3A : memref<!tpu.dma_semaphore, #tpu.memory_space<semaphore_mem>>) src(%dma_wait3A_42 : memref<512xi32, #tpu.memory_space<hbm>>) dst(%arg10 : memref<512xi32, #tpu.memory_space<vmem>>)
      tpu.yield
    }) : () -> ()
    "tpu.region"() ({
      %run_scoped3A = tpu.sem_alloc : memref<!tpu.dma_semaphore, #tpu.memory_space<semaphore_mem>>
      %dma_start3A_39 = tpu.memref_slice %arg4[%mul3A_2] : memref<16384xi32, #tpu.memory_space<hbm>> -> memref<512xi32, #tpu.memory_space<hbm>>
      %dma_start3A_40 = tpu.memref_slice %arg4[%mul3A_2] : memref<16384xi32, #tpu.memory_space<hbm>> -> memref<512xi32, #tpu.memory_space<hbm>>
      tpu.enqueue_dma source(%dma_start3A_40 : memref<512xi32, #tpu.memory_space<hbm>>) target(%arg11 : memref<512xi32, #tpu.memory_space<vmem>>) target_semaphore(%run_scoped3A : memref<!tpu.dma_semaphore, #tpu.memory_space<semaphore_mem>>)
      %dma_wait3A_41 = tpu.memref_slice %arg4[%mul3A_2] : memref<16384xi32, #tpu.memory_space<hbm>> -> memref<512xi32, #tpu.memory_space<hbm>>
      %dma_wait3A_42 = tpu.memref_slice %arg4[%mul3A_2] : memref<16384xi32, #tpu.memory_space<hbm>> -> memref<512xi32, #tpu.memory_space<hbm>>
      tpu.wait_dma2 semaphore(%run_scoped3A : memref<!tpu.dma_semaphore, #tpu.memory_space<semaphore_mem>>) src(%dma_wait3A_42 : memref<512xi32, #tpu.memory_space<hbm>>) dst(%arg11 : memref<512xi32, #tpu.memory_space<vmem>>)
      tpu.yield
    }) : () -> ()
    %dma_start3A = arith.constant 0 : i32
    %dma_start3A_3 = arith.constant 0 : i32
    %dma_start3A_4 = tpu.memref_slice %arg5[%dma_start3A, %dma_start3A_3] : memref<1000x24xf32, #tpu.memory_space<hbm>> -> memref<1000x24xf32, #tpu.memory_space<hbm>>
    tpu.enqueue_indirect_dma source(%dma_start3A_4 : memref<1000x24xf32, #tpu.memory_space<hbm>>) target(%arg12 : memref<512x24xf32, #tpu.memory_space<vmem>>) offsets(%arg9 : memref<512xi32, #tpu.memory_space<vmem>>) semaphore(%arg16 : memref<!tpu.dma_semaphore, #tpu.memory_space<semaphore_mem>>)
    %dma_start3A_5 = arith.constant 0 : i32
    %dma_start3A_6 = arith.constant 0 : i32
    %dma_start3A_7 = tpu.memref_slice %arg6[%dma_start3A_5, %dma_start3A_6] : memref<100000x24xf32, #tpu.memory_space<hbm>> -> memref<100000x24xf32, #tpu.memory_space<hbm>>
    tpu.enqueue_indirect_dma source(%dma_start3A_7 : memref<100000x24xf32, #tpu.memory_space<hbm>>) target(%arg13 : memref<512x24xf32, #tpu.memory_space<vmem>>) offsets(%arg10 : memref<512xi32, #tpu.memory_space<vmem>>) semaphore(%arg17 : memref<!tpu.dma_semaphore, #tpu.memory_space<semaphore_mem>>)
    %dma_start3A_8 = arith.constant 0 : i32
    %dma_start3A_9 = arith.constant 0 : i32
    %dma_start3A_10 = tpu.memref_slice %arg7[%dma_start3A_8, %dma_start3A_9] : memref<512x56xf32, #tpu.memory_space<hbm>> -> memref<512x56xf32, #tpu.memory_space<hbm>>
    tpu.enqueue_indirect_dma source(%dma_start3A_10 : memref<512x56xf32, #tpu.memory_space<hbm>>) target(%arg14 : memref<512x56xf32, #tpu.memory_space<vmem>>) offsets(%arg11 : memref<512xi32, #tpu.memory_space<vmem>>) semaphore(%arg18 : memref<!tpu.dma_semaphore, #tpu.memory_space<semaphore_mem>>)
    %dma_wait3A = arith.constant 0 : i32
    %dma_wait3A_11 = arith.constant 0 : i32
    %dma_wait3A_12 = tpu.memref_slice %arg5[%dma_wait3A, %dma_wait3A_11] : memref<1000x24xf32, #tpu.memory_space<hbm>> -> memref<1000x24xf32, #tpu.memory_space<hbm>>
    tpu.wait_indirect_dma semaphore(%arg16 : memref<!tpu.dma_semaphore, #tpu.memory_space<semaphore_mem>>) src(%dma_wait3A_12 : memref<1000x24xf32, #tpu.memory_space<hbm>>) dst(%arg12 : memref<512x24xf32, #tpu.memory_space<vmem>>)
    %scan3A = arith.constant 0 : i32
    %scan3A_13 = arith.constant 0 : i32
    %scan3A_14 = arith.constant 512 : i32
    %scan3A_15 = arith.addi %scan3A_13, %scan3A_14 : i32
    %scan3A_16 = arith.constant 1 : i32
    %scan3A_17 = scf.for %scan3A_39 = %scan3A_13 to %scan3A_15 step %scan3A_16 iter_args(%scan3A_40 = %scan3A) -> (i32)  : i32 {
      %get3A = arith.index_cast %scan3A_39 : i32 to index
      %get3A_41 = arith.constant 0 : index
      %get3A_42 = tpu.vector_load %arg12[%get3A, %get3A_41] {strides = array<i32>} : memref<512x24xf32, #tpu.memory_space<vmem>>, vector<16xf32>,
      %swap3A = arith.index_cast %scan3A_39 : i32 to index
      %swap3A_43 = arith.constant 0 : index
      %swap3A_44 = tpu.vector_load %arg15[%swap3A, %swap3A_43] {strides = array<i32>} : memref<512x90xf32, #tpu.memory_space<vmem>>, vector<16xf32>,
      tpu.vector_store %arg15[%swap3A, %swap3A_43], %get3A_42 {strides = array<i32>} : memref<512x90xf32, #tpu.memory_space<vmem>>, vector<16xf32>,
      %get3A_45 = arith.index_cast %scan3A_39 : i32 to index
      %get3A_46 = arith.constant 4 : index
      %get3A_47 = tpu.vector_load %arg12[%get3A_45, %get3A_46] {strides = array<i32>} : memref<512x24xf32, #tpu.memory_space<vmem>>, vector<16xf32>,
      %swap3A_48 = arith.index_cast %scan3A_39 : i32 to index
      %swap3A_49 = arith.constant 4 : index
      %swap3A_50 = tpu.vector_load %arg15[%swap3A_48, %swap3A_49] {strides = array<i32>} : memref<512x90xf32, #tpu.memory_space<vmem>>, vector<16xf32>,
      tpu.vector_store %arg15[%swap3A_48, %swap3A_49], %get3A_47 {strides = array<i32>} : memref<512x90xf32, #tpu.memory_space<vmem>>, vector<16xf32>,
      %scan3A_51 = arith.constant 0 : i32
      scf.yield %scan3A_51 : i32
    }
    %scan3A_18 = arith.constant 512 : i32
    %dma_wait3A_19 = arith.constant 0 : i32
    %dma_wait3A_20 = arith.constant 0 : i32
    %dma_wait3A_21 = tpu.memref_slice %arg6[%dma_wait3A_19, %dma_wait3A_20] : memref<100000x24xf32, #tpu.memory_space<hbm>> -> memref<100000x24xf32, #tpu.memory_space<hbm>>
    tpu.wait_indirect_dma semaphore(%arg17 : memref<!tpu.dma_semaphore, #tpu.memory_space<semaphore_mem>>) src(%dma_wait3A_21 : memref<100000x24xf32, #tpu.memory_space<hbm>>) dst(%arg13 : memref<512x24xf32, #tpu.memory_space<vmem>>)
    %scan3A_22 = arith.constant 0 : i32
    %scan3A_23 = arith.constant 0 : i32
    %scan3A_24 = arith.constant 512 : i32
    %scan3A_25 = arith.addi %scan3A_23, %scan3A_24 : i32
    %scan3A_26 = arith.constant 1 : i32
    %scan3A_27 = scf.for %scan3A_39 = %scan3A_23 to %scan3A_25 step %scan3A_26 iter_args(%scan3A_40 = %scan3A_22) -> (i32)  : i32 {
      %get3A = arith.index_cast %scan3A_39 : i32 to index
      %get3A_41 = arith.constant 0 : index
      %get3A_42 = tpu.vector_load %arg13[%get3A, %get3A_41] {strides = array<i32>} : memref<512x24xf32, #tpu.memory_space<vmem>>, vector<16xf32>,
      %swap3A = arith.index_cast %scan3A_39 : i32 to index
      %swap3A_43 = arith.constant 20 : index
      %swap3A_44 = tpu.vector_load %arg15[%swap3A, %swap3A_43] {strides = array<i32>} : memref<512x90xf32, #tpu.memory_space<vmem>>, vector<16xf32>,
      tpu.vector_store %arg15[%swap3A, %swap3A_43], %get3A_42 {strides = array<i32>} : memref<512x90xf32, #tpu.memory_space<vmem>>, vector<16xf32>,
      %get3A_45 = arith.index_cast %scan3A_39 : i32 to index
      %get3A_46 = arith.constant 4 : index
      %get3A_47 = tpu.vector_load %arg13[%get3A_45, %get3A_46] {strides = array<i32>} : memref<512x24xf32, #tpu.memory_space<vmem>>, vector<16xf32>,
      %swap3A_48 = arith.index_cast %scan3A_39 : i32 to index
      %swap3A_49 = arith.constant 24 : index
      %swap3A_50 = tpu.vector_load %arg15[%swap3A_48, %swap3A_49] {strides = array<i32>} : memref<512x90xf32, #tpu.memory_space<vmem>>, vector<16xf32>,
      tpu.vector_store %arg15[%swap3A_48, %swap3A_49], %get3A_47 {strides = array<i32>} : memref<512x90xf32, #tpu.memory_space<vmem>>, vector<16xf32>,
      %scan3A_51 = arith.constant 0 : i32
      scf.yield %scan3A_51 : i32
    }
    %scan3A_28 = arith.constant 512 : i32
    %dma_wait3A_29 = arith.constant 0 : i32
    %dma_wait3A_30 = arith.constant 0 : i32
    %dma_wait3A_31 = tpu.memref_slice %arg7[%dma_wait3A_29, %dma_wait3A_30] : memref<512x56xf32, #tpu.memory_space<hbm>> -> memref<512x56xf32, #tpu.memory_space<hbm>>
    tpu.wait_indirect_dma semaphore(%arg18 : memref<!tpu.dma_semaphore, #tpu.memory_space<semaphore_mem>>) src(%dma_wait3A_31 : memref<512x56xf32, #tpu.memory_space<hbm>>) dst(%arg14 : memref<512x56xf32, #tpu.memory_space<vmem>>)
    %scan3A_32 = arith.constant 0 : i32
    %scan3A_33 = arith.constant 0 : i32
    %scan3A_34 = arith.constant 512 : i32
    %scan3A_35 = arith.addi %scan3A_33, %scan3A_34 : i32
    %scan3A_36 = arith.constant 1 : i32
    %scan3A_37 = scf.for %scan3A_39 = %scan3A_33 to %scan3A_35 step %scan3A_36 iter_args(%scan3A_40 = %scan3A_32) -> (i32)  : i32 {
      %get3A = arith.index_cast %scan3A_39 : i32 to index
      %get3A_41 = arith.constant 0 : index
      %get3A_42 = tpu.vector_load %arg14[%get3A, %get3A_41] {strides = array<i32>} : memref<512x56xf32, #tpu.memory_space<vmem>>, vector<16xf32>,
      %swap3A = arith.index_cast %scan3A_39 : i32 to index
      %swap3A_43 = arith.constant 40 : index
      %swap3A_44 = tpu.vector_load %arg15[%swap3A, %swap3A_43] {strides = array<i32>} : memref<512x90xf32, #tpu.memory_space<vmem>>, vector<16xf32>,
      tpu.vector_store %arg15[%swap3A, %swap3A_43], %get3A_42 {strides = array<i32>} : memref<512x90xf32, #tpu.memory_space<vmem>>, vector<16xf32>,
      %get3A_45 = arith.index_cast %scan3A_39 : i32 to index
      %get3A_46 = arith.constant 16 : index
      %get3A_47 = tpu.vector_load %arg14[%get3A_45, %get3A_46] {strides = array<i32>} : memref<512x56xf32, #tpu.memory_space<vmem>>, vector<16xf32>,
      %swap3A_48 = arith.index_cast %scan3A_39 : i32 to index
      %swap3A_49 = arith.constant 56 : index
      %swap3A_50 = tpu.vector_load %arg15[%swap3A_48, %swap3A_49] {strides = array<i32>} : memref<512x90xf32, #tpu.memory_space<vmem>>, vector<16xf32>,
      tpu.vector_store %arg15[%swap3A_48, %swap3A_49], %get3A_47 {strides = array<i32>} : memref<512x90xf32, #tpu.memory_space<vmem>>, vector<16xf32>,
      %get3A_51 = arith.index_cast %scan3A_39 : i32 to index
      %get3A_52 = arith.constant 32 : index
      %get3A_53 = tpu.vector_load %arg14[%get3A_51, %get3A_52] {strides = array<i32>} : memref<512x56xf32, #tpu.memory_space<vmem>>, vector<16xf32>,
      %swap3A_54 = arith.index_cast %scan3A_39 : i32 to index
      %swap3A_55 = arith.constant 72 : index
      %swap3A_56 = tpu.vector_load %arg15[%swap3A_54, %swap3A_55] {strides = array<i32>} : memref<512x90xf32, #tpu.memory_space<vmem>>, vector<16xf32>,
      tpu.vector_store %arg15[%swap3A_54, %swap3A_55], %get3A_53 {strides = array<i32>} : memref<512x90xf32, #tpu.memory_space<vmem>>, vector<16xf32>,
      %get3A_57 = arith.index_cast %scan3A_39 : i32 to index
      %get3A_58 = arith.constant 34 : index
      %get3A_59 = tpu.vector_load %arg14[%get3A_57, %get3A_58] {strides = array<i32>} : memref<512x56xf32, #tpu.memory_space<vmem>>, vector<16xf32>,
      %swap3A_60 = arith.index_cast %scan3A_39 : i32 to index
      %swap3A_61 = arith.constant 74 : index
      %swap3A_62 = tpu.vector_load %arg15[%swap3A_60, %swap3A_61] {strides = array<i32>} : memref<512x90xf32, #tpu.memory_space<vmem>>, vector<16xf32>,
      tpu.vector_store %arg15[%swap3A_60, %swap3A_61], %get3A_59 {strides = array<i32>} : memref<512x90xf32, #tpu.memory_space<vmem>>, vector<16xf32>,
      %scan3A_63 = arith.constant 0 : i32
      scf.yield %scan3A_63 : i32
    }
    %scan3A_38 = arith.constant 512 : i32
    "tpu.region"() ({
      %run_scoped3A = tpu.sem_alloc : memref<!tpu.dma_semaphore, #tpu.memory_space<semaphore_mem>>
      %dma_start3A_39 = arith.constant 0 : i32
      %dma_start3A_40 = tpu.memref_slice %arg8[%mul3A_2, %dma_start3A_39] : memref<16384x90xf32, #tpu.memory_space<hbm>> -> memref<512x90xf32, #tpu.memory_space<hbm>>
      %dma_start3A_41 = arith.constant 0 : i32
      %dma_start3A_42 = tpu.memref_slice %arg8[%mul3A_2, %dma_start3A_41] : memref<16384x90xf32, #tpu.memory_space<hbm>> -> memref<512x90xf32, #tpu.memory_space<hbm>>
      tpu.enqueue_dma source(%arg15 : memref<512x90xf32, #tpu.memory_space<vmem>>) target(%dma_start3A_42 : memref<512x90xf32, #tpu.memory_space<hbm>>) target_semaphore(%run_scoped3A : memref<!tpu.dma_semaphore, #tpu.memory_space<semaphore_mem>>)
      %dma_wait3A_43 = arith.constant 0 : i32
      %dma_wait3A_44 = tpu.memref_slice %arg8[%mul3A_2, %dma_wait3A_43] : memref<16384x90xf32, #tpu.memory_space<hbm>> -> memref<512x90xf32, #tpu.memory_space<hbm>>
      %dma_wait3A_45 = arith.constant 0 : i32
      %dma_wait3A_46 = tpu.memref_slice %arg8[%mul3A_2, %dma_wait3A_45] : memref<16384x90xf32, #tpu.memory_space<hbm>> -> memref<512x90xf32, #tpu.memory_space<hbm>>
      tpu.wait_dma2 semaphore(%run_scoped3A : memref<!tpu.dma_semaphore, #tpu.memory_space<semaphore_mem>>) src(%arg15 : memref<512x90xf32, #tpu.memory_space<vmem>>) dst(%dma_wait3A_46 : memref<512x90xf32, #tpu.memory_space<hbm>>)
      tpu.yield
    }) : () -> ()
    return
  }
}

</mosaic_0001>

<sc_bundles>
// kernel: kernel.3.cloned.1.call-start
scs
__scs_entry_jumppad:
0x0: {  	(pc) =	sbr.rel $0x88, $3  }
0x1: {  	(tag) =	ssettag $0x0;
	lr =	simm.s32 $0x1  }
0x2: {  	[smem:$0x3F9B] =	sst lr;
	_ =	strace $0xD0000000  }
0x3: {  	_ = 	snop  }
0x4: {  	_ = 	snop  }
0x5: {  	_ = 	snop  }
0x6: {  	_ = 	snop  }
0x7: {  	_ = 	snop  }
__scs_overlays_trampoline_lowered:
0x8: {  	[smem:$0x3FAA] =	sst s0  }
0x9: {  	[smem:$0x3FAB] =	sst s1  }
0xa: {  	[smem:$0x3FAC] =	sst s2  }
0xb: {  	[smem:$0x3FAD] =	sst s3  }
0xc: {  	[smem:$0x3FAE] =	sst s4  }
0xd: {  	[smem:$0x3FAF] =	sst s5  }
0xe: {  	[smem:$0x3FB0] =	sst s6  }
0xf: {  	[smem:$0x3FB1] =	sst s7  }
0x10: {  	[smem:$0x3FB2] =	sst s8  }
0x11: {  	[smem:$0x3FB3] =	sst s9;
	s0 =	simm.s32 @!p0 $0x0  }
0x12: {  	s1 =	sld [smem:$0x3F99];
	s0 =	simm.s32 @p0 $0x1  }
0x13: {  	[smem:$0x3FB4] =	sst s0;
	s0 =	simm.s32 @!p1 $0x0  }
0x14: {  	s2 =	sld [smem:$0x3F98];
	s0 =	simm.s32 @p1 $0x1  }
0x15: {  	[smem:$0x3FB5] =	sst s0;
	s0 =	simm.s32 @!p2 $0x0  }
0x16: {  	s3 =	sld [smem:$0x3FDB];
	s0 =	simm.s32 @p2 $0x1  }
0x17: {  	s4 =	simm.s32 $0x1BF5;
	[smem:$0x3FB7] =	sst s0  }
0x18: {  	s0 =	sld [smem:$0x3F9A];
	_ =	swait.ge [sflag:s4], $0x0  }
0x19: {  	s7 =	sld [smem:$0x3F9B]  }
0x1a: {  	s8 =	sadd.s32 $0xFFFFE003, lr  }
0x1b: {  	s9 =	sadd.s32 $0xFFFFFEF7, lr;
	s5 =	simm.s32 $0xFFFFFFFF;
	p2 =	slt.u32 s8, $0xFFFFF086  }
0x1c: {  	p1 =	slt.u32 s9, $0xF7A;
	s5 =	simm.s32 @!p2 $0x0  }
0x1d: {  	s5 =	simm.s32 @p1 $0x1;
	p0 =	seq.s32 s7, s2  }
0x1e: {  	s7 =	smul.u32 @!p0 $0xF7A, s2;
	p2 =	seq.s32 @!p0 s5, $0x0  }
0x1f: {  	s9 =	smul.u32 $0xF7A, s1;
	s8 =	simm.s32 @!p0 $0x1BF5;
	p2 =	por !p2, p0  }
0x20: {  	[sflag:s8] =	ssyncset.s32 @!p0 $0xFFFFF086;
	s6 =	sadd.s32 @!p0 s3, s7;
	s7 =	simm.s32 @!p0 $0x108  }
0x21: {  	s3 =	sadd.s32 s3, s9;
	s6 =	sadd.s32 @!p0 $0x88, s6;
	s7 =	simm.s32 @p2 $0x1082  }
0x22: {  	[simem:s7], [sflag:s8] =	dma.local @!p0 [hbm:s6], $0xF7A  }
0x23: {  	s9 =	sor.u32 $0xD0000000, s2;
	s6 =	simm.s32 $0x108;
	_ =	swait.ge @!p0 [sflag:s8], $0x0  }
0x24: {  	s3 =	sadd.s32 $0x88, s3;
	s6 =	simm.s32 @!p1 $0x1082;
	[sflag:s4] =	ssyncset.s32 $0xFFFFF086  }
0x25: {  	[simem:s6], [sflag:s4] =	dma.local [hbm:s3], $0xF7A  }
0x26: {  	[smem:$0x3F9B] =	sst s1;
	(tag) =	ssettag s2;
	_ =	strace s9  }
0x27: {  	s1 =	sld [smem:$0x3FAB]  }
0x28: {  	s2 =	sld [smem:$0x3FAC]  }
0x29: {  	s4 =	sld [smem:$0x3FAE]  }
0x2a: {  	p0 =	seq.s32 s5, $0x0;
	s5 =	sld [smem:$0x3FAF]  }
0x2b: {  	s6 =	sld [smem:$0x3FB0]  }
0x2c: {  	s7 =	sld [smem:$0x3FB1]  }
0x2d: {  	s3 =	simm.s32 $0x108;
	s8 =	sld [smem:$0x3FB2]  }
0x2e: {  	s3 =	simm.s32 @!p0 $0x1082;
	s9 =	sld [smem:$0x3FB3]  }
0x2f: {  	lr =	sadd.s32 s0, s3;
	s0 =	sld [smem:$0x3FAA]  }
0x30: {  	s3 =	sld [smem:$0x3FAD]  }
0x31: {  	[smem:$0x3FB6] =	sst s10  }
0x32: {  	s10 =	sld [smem:$0x3FB4];
	_ =	sdelay $0x3  }
0x33: {  	p0 =	seq.s32 s10, $0x1;
	s10 =	sld [smem:$0x3FB6];
	_ =	sdelay $0x3  }
0x34: {  	[smem:$0x3FB6] =	sst s10  }
0x35: {  	s10 =	sld [smem:$0x3FB5];
	_ =	sdelay $0x3  }
0x36: {  	p1 =	seq.s32 s10, $0x1;
	s10 =	sld [smem:$0x3FB6];
	_ =	sdelay $0x3  }
0x37: {  	[smem:$0x3FB6] =	sst s10  }
0x38: {  	s10 =	sld [smem:$0x3FB7]  }
0x39: {  	_ = 	snop;
	(pc) =	sbr.ind lr, $3  }
0x3a: {  	_ = 	snop  }
0x3b: {  	_ = 	snop  }
0x3c: {  	p2 =	seq.s32 s10, $0x1;
	s10 =	sld [smem:$0x3FB6]  }
0x3d: {  	_ =	shalt  }
0x3e: {  	_ =	shalt  }
0x3f: {  	_ =	shalt  }
0x40: {  	_ =	shalt  }
0x41: {  	_ =	shalt  }
0x42: {  	_ =	shalt  }
0x43: {  	_ =	shalt  }
0x44: {  	_ =	shalt  }
0x45: {  	_ =	shalt  }
0x46: {  	_ =	shalt  }
0x47: {  	_ =	shalt  }
0x48: {  	_ =	shalt  }
0x49: {  	_ =	shalt  }
0x4a: {  	_ =	shalt  }
0x4b: {  	_ =	shalt  }
0x4c: {  	_ =	shalt  }
0x4d: {  	_ =	shalt  }
0x4e: {  	_ =	shalt  }
0x4f: {  	_ =	shalt  }
0x50: {  	_ =	shalt  }
0x51: {  	_ =	shalt  }
0x52: {  	_ =	shalt  }
0x53: {  	_ =	shalt  }
0x54: {  	_ =	shalt  }
0x55: {  	_ =	shalt  }
0x56: {  	_ =	shalt  }
0x57: {  	_ =	shalt  }
0x58: {  	_ =	shalt  }
0x59: {  	_ =	shalt  }
0x5a: {  	_ =	shalt  }
0x5b: {  	_ =	shalt  }
0x5c: {  	_ =	shalt  }
0x5d: {  	_ =	shalt  }
0x5e: {  	_ =	shalt  }
0x5f: {  	_ =	shalt  }
0x60: {  	_ =	shalt  }
0x61: {  	_ =	shalt  }
0x62: {  	_ =	shalt  }
0x63: {  	_ =	shalt  }
0x64: {  	_ =	shalt  }
0x65: {  	_ =	shalt  }
0x66: {  	_ =	shalt  }
0x67: {  	_ =	shalt  }
0x68: {  	_ =	shalt  }
0x69: {  	_ =	shalt  }
0x6a: {  	_ =	shalt  }
0x6b: {  	_ =	shalt  }
0x6c: {  	_ =	shalt  }
0x6d: {  	_ =	shalt  }
0x6e: {  	_ =	shalt  }
0x6f: {  	_ =	shalt  }
0x70: {  	_ =	shalt  }
0x71: {  	_ =	shalt  }
0x72: {  	_ =	shalt  }
0x73: {  	_ =	shalt  }
0x74: {  	_ =	shalt  }
0x75: {  	_ =	shalt  }
0x76: {  	_ =	shalt  }
0x77: {  	_ =	shalt  }
0x78: {  	_ =	shalt  }
0x79: {  	_ =	shalt  }
0x7a: {  	_ =	shalt  }
0x7b: {  	_ =	shalt  }
0x7c: {  	_ =	shalt  }
0x7d: {  	_ =	shalt  }
0x7e: {  	_ =	shalt  }
0x7f: {  	_ =	shalt  }
0x80: {  	_ =	shalt  }
0x81: {  	_ =	shalt  }
0x82: {  	_ =	shalt  }
0x83: {  	_ =	shalt  }
0x84: {  	_ =	shalt  }
0x85: {  	_ =	shalt  }
0x86: {  	_ =	shalt  }
0x87: {  	_ =	shalt  }
.Lfunc_end0:
.L_simem_size_0:
called_computation_lowered:
.L_overlay_start_0:
0x88: {  	s2 =	sld [smem:$0x3FD9]  }
0x89: {  	s3 =	sld [smem:$0x3FFE];
	_ =	sdelay $0x1  }
0x8a: {  	s1 =	srdreg.scid  }
0x8b: {  	s0 =	sand.u32 $0x1, s1  }
0x8c: {  	s17 =	sshll.u32 s0, $0xA;
	s2 =	sadd.s32 s3, s2  }
0x8d: {  	s2 =	sadd.s32 s2, s17  }
0x8e: {  	[smem:$0x3FC2] =	sst s2  }
0x8f: {  	_ = 	snop  }
0x90: {  	s2 =	sld [smem:$0x3FC9]  }
0x91: {  	s18 =	sld [smem:$0x3FC8]  }
0x92: {  	s4 =	sld [smem:$0x3FC7]  }
0x93: {  	s5 =	sld [smem:$0x3FD0];
	(tm) =	ssettm $0x1  }
0x94: {  	s6 =	sld [smem:$0x3FFB];
	_ =	sdelay $0x3  }
0x95: {  	_ =	strace s6  }
0x96: {  	s6 =	sld [smem:$0x3FFC];
	_ =	sdelay $0x3  }
0x97: {  	_ =	strace s6  }
0x98: {  	s6 =	sld [smem:$0x3FFD];
	_ =	sdelay $0x3  }
0x99: {  	_ =	strace s6  }
0x9a: {  	_ =	strace $0x8FFFFFFF  }
0x9b: {  	s19 =	sld [smem:$0x3FDB];
	_ =	sdelay $0x1  }
0x9c: {  	s7 =	simm.s32 $_scs_section_size  }
0x9d: {  	s8 =	simm.s32 $_size__tile_overlayer_lowered;
	s9 =	simm.s32 $_tile_overlayer_lowered  }
0x9e: {  	s22 =	simm.s32 $0x1BFF;
	s21 =	sshll.u32 s9, $0x1;
	s6 =	sadd.s32 s7, s19  }
0x9f: {  	s10 =	simm.s32 $0x0;
	s20 =	sshll.u32 s8, $0x1;
	s8 =	sadd.s32 s21, s6  }
0xa0: {  	[timem:s10], [sflag:s22] =	dma.local [hbm:s8], s20  }
0xa1: {  	_ =	swait.ge [sflag:s22], s20  }
0xa2: {  	s7 =	ssub.s32 $0x0, s20;
	[sflag:s22] =	ssyncset.done $0x0  }
0xa3: {  	[sflag:s22] =	ssyncadd.s32 s7;
	_ =	sdelay $0x1  }
0xa4: {  	s23 =	simm.s32 $0x1B8B  }
0xa5: {  	_ =	swait.ge [sflag:s23], $0x1  }
0xa6: {  	[sflag:s23] =	ssyncset.done $0x0  }
0xa7: {  	s25 =	simm.s32 $0x1B8E;
	s24 =	sld [smem:$0x3FFE];
	[sflag:s23] =	ssyncadd.s32 $0xFFFFFFFF  }
0xa8: {  	s26 =	simm.s32 $execute0_lowered;
	[smem:$0x3FD2] =	sst s25  }
0xa9: {  	s8 =	sshll.u32 s26, $0x1;
	_ =	strace $0x80000046;
	[dreg:$0x1] =	wrdreg $0xFFFFFFFF  }
0xaa: {  	s28 =	simm.s32 $_size_execute0_lowered;
	s6 =	sadd.s32 s6, s8;
	[dreg:$0x0] =	wrdreg $0x0  }
0xab: {  	s8 =	sshll.u32 s28, $0x1;
	[dreg:$0x2] =	wrdreg s6  }
0xac: {  	[dreg:$0x3] =	wrdreg s8  }
0xad: {  	[dreg:$0x4] =	wrdreg $0xC0  }
0xae: {  	_ =	task [dreg:s10], $0x5FFFF  }
0xaf: {  	[dreg:$0x1] =	wrdreg $0xFFFFFFFF  }
0xb0: {  	[dreg:$0x0] =	wrdreg $0x60  }
0xb1: {  	[dreg:$0x2] =	wrdreg s2  }
0xb2: {  	[dreg:$0x3] =	wrdreg s18  }
0xb3: {  	[dreg:$0x4] =	wrdreg s4  }
0xb4: {  	[dreg:$0x5] =	wrdreg s24  }
0xb5: {  	[dreg:$0x6] =	wrdreg s5  }
0xb6: {  	[dreg:$0x7] =	wrdreg $0x9  }
0xb7: {  	_ =	task.clear_ibuf [dreg:s10], $0x8FFFF;
	_ =	strace $0x90000046  }
0xb8: {  	s29 =	simm.s32 $0x9;
	_ =	strace $0x80000048  }
0xb9: {  	_ =	swait.ge [sflag:s29], $0x1  }
0xba: {  	[sflag:s29] =	ssyncadd.s32 $0xFFFFFFFF  }
0xbb: {  	_ =	strace $0x90000048  }
0xbc: {  	_ =	sfence  }
0xbd: {  	s30 =	sld [smem:$0x0];
	_ =	sdelay $0x2  }
0xbe: {  	s31 =	sshll.u32 s1, $0xD;
	s1 =	sshrl.u32 s1, $0x2  }
0xbf: {  	s3 =	sand.u32 $0x4000, s31;
	s1 =	sadd.s32 s1, s30  }
0xc0: {  	s0 =	sor.u32 s3, s0;
	s1 =	sshll.u32 s1, $0x11  }
0xc1: {  	s0 =	sor.u32 s1, s0  }
0xc2: {  	s0 =	sadd.s32 $0x8F2B, s0  }
0xc3: {  	[sflag:s0] =	ssyncadd.remote.s32 $0x1  }
0xc4: {  	_ =	sfence.sel $0xFFFF  }
0xc5: {  	[dreg:$0x0] =	wrdreg $0xFFFFFFFF;
	(pc) =	sbr.abs _section_cstart, $3  }
0xc6: {  	[dreg:$0x1] =	wrdreg $0xFFFFFFFF  }
0xc7: {  	_ =	task.clear_ibuf [dreg:s10], $0x2FFFF;
	_ =	strace $0x9FFFFFFF  }
0xc8: {  	(tm) =	ssettm $0x7FFFFFFF  }
0xc9: {  	_ =	shalt  }
tec
execute0_lowered:
.L_overlay_start_1:
0x0: {  	(tag) =	ssettag $0x1  }
0x1: {  	s6 =	rddreg [dreg:$0x0]  }
0x2: {  	s7 =	rddreg [dreg:$0x1]  }
0x3: {  	s8 =	rddreg [dreg:$0x2]  }
0x4: {  	s5 =	rddreg [dreg:$0x3]  }
0x5: {  	s9 =	rddreg [dreg:$0x4]  }
0x6: {  	s0 =	rddreg [dreg:$0x5]  }
0x7: {  	s2 =	simm.s32 $0x0;
	s3 =	srdreg.scid;
	s1 =	stileid.u32  }
0x8: {  	s14 =	simm.s32 $0x600;
	s15 =	simm.s32 $0x3600;
	s16 =	simm.s32 $0x6600  }
0x9: {  	s17 =	simm.s32 $0x1;
	s18 =	simm.s32 $0x2;
	s19 =	simm.s32 $0x3  }
0xa: {  	s20 =	simm.s32 $0xD600;
	s21 =	simm.s32 $0x0;
	[smem:$0x7FF] =	sst s2  }
0xb: {  	s10 =	sand.u32 $0x1, s3;
	s3 =	sadd.s32 $0x49C00, s5;
	s11 =	sshll.u32 s1, $0xA  }
0xc: {  	s4 =	sadd.s32 $0x800, s5;
	s5 =	sadd.s32 $0x4A800, s5;
	s12 =	sshll.u32 s10, $0x9  }
0xd: {  	_ =	strace $0x80000047;
	s10 =	ssub.s32 $0x2, s10;
	s11 =	sor.u32 s12, s11  }
0xe: {  	s31 =	sshrl.u32 s10, $0x1;
	s12 =	simm.s32 $0x200;
	s13 =	sshrl.u32 s11, $0x3  }
0xf: {  	s11 =	smul.u32 $0xC, s11;
	s10 =	ssub.s32 s10, s31;
	s6 =	sadd.s32 s6, s13  }
0x10: {  	s7 =	sadd.s32 s7, s13;
	s8 =	sadd.s32 s8, s13;
	s10 =	smax.u32 s10, $0x1  }
0x11: {  	s13 =	simm.s32 $0x400;
	s9 =	sadd.s32 s9, s11;
	s11 =	simm.s32 $0x4  }
.LBB2_1:
0x12: {  	[tilespmem:s2], [sflag:$0x4] =	stream.linear.gather [hbm4b:s6+s2], $0x200, $0x38;
	[tilespmem:$0x19600] =	vst v63  }
0x13: {  	_ =	swait.ge [sflag:s11], $0x200  }
0x14: {  	[sflag:s11] =	ssyncset.done $0x0  }
0x15: {  	[sflag:s11] =	ssyncadd.s32 $0xFFFFFE00  }
0x16: {  	[tilespmem:s12], [sflag:$0x4] =	stream.linear.gather [hbm4b:s7+s2], $0x200, $0x38;
	[tilespmem:$0x19600] =	vst v63  }
0x17: {  	_ =	swait.ge [sflag:s11], $0x200  }
0x18: {  	[sflag:s11] =	ssyncset.done $0x0  }
0x19: {  	[sflag:s11] =	ssyncadd.s32 $0xFFFFFE00  }
0x1a: {  	[tilespmem:s13], [sflag:$0x4] =	stream.linear.gather [hbm4b:s8+s2], $0x200, $0x38;
	[tilespmem:$0x19600] =	vst v63  }
0x1b: {  	_ =	swait.ge [sflag:s11], $0x200  }
0x1c: {  	[sflag:s11] =	ssyncset.done $0x0  }
0x1d: {  	[sflag:s11] =	ssyncadd.s32 $0xFFFFFE00  }
0x1e: {  	[tilespmem:s14], [sflag:$0x1] =	stream.indirect.gather [hbm4b:s3+s12], $0x18, s2, s12, $0xb8;
	[tilespmem:$0x19600] =	vst v63  }
0x1f: {  	_ = 	snop  }
0x20: {  	[tilespmem:s15], [sflag:$0x2] =	stream.indirect.gather [hbm4b:s4+s12], $0x18, s12, s12, $0xb8;
	[tilespmem:$0x19600] =	vst v63  }
0x21: {  	_ = 	snop  }
0x22: {  	[tilespmem:s16], [sflag:$0x3] =	stream.indirect.gather [hbm4b:s5+s12], $0x38, s13, s12, $0xb8;
	[tilespmem:$0x19600] =	vst v63  }
0x23: {  	_ =	swait.ge [sflag:s17], $0x3000  }
0x24: {  	[sflag:s17] =	ssyncset.done $0x0  }
0x25: {  	s23 =	simm.s32 $0x0;
	[sflag:s17] =	ssyncadd.s32 $0xFFFFD000  }
0x26: {  	v0 =	vld [tilespmem:s23+$0x600];
	_ =	sdelay $0x3  }
0x27: {  	s22 =	simm.s32 $0xD604  }
0x28: {  	[tilespmem:s22+$0xFFFFFFFC] =	vst v0  }
0x29: {  	v0 =	vld [tilespmem:s23+$0x604];
	_ =	sdelay $0x4  }
0x2a: {  	s24 =	simm.s32 $0x18;
	s23 =	simm.s32 $0xC0;
	[tilespmem:s22+$0x0] =	vst v0  }
.LBB2_2:
0x2b: {  	p0 =	sne.s32 s23, $0xBFA0;
	v0 =	vld [tilespmem:s24+$0x600];
	_ =	sdelay $0x3  }
0x2c: {  	s22 =	sadd.s32 $0x60, s22  }
0x2d: {  	[tilespmem:s22+$0xFFFFFFFC] =	vst v0  }
0x2e: {  	v0 =	vld [tilespmem:s24+$0x604]  }
.Ltmp0:
0x2f: {  	(pc) =	sbr.rel @p0 .LBB2_2-.Ltmp0, $2  }
0x30: {  	_ =	sdelay $0x2  }
0x31: {  	s24 =	sshra.s32 s23, $0x2;
	s23 =	sadd.s32 $0x60, s23;
	[tilespmem:s22+$0x0] =	vst v0  }
0x32: {  	v0 =	vld [tilespmem:s24+$0x600];
	_ =	sdelay $0x3  }
0x33: {  	s22 =	sadd.s32 $0x60, s22  }
0x34: {  	[tilespmem:s22+$0xFFFFFFFC] =	vst v0  }
0x35: {  	v0 =	vld [tilespmem:s24+$0x604];
	_ =	sdelay $0x4  }
0x36: {  	[tilespmem:s22+$0x0] =	vst v0  }
0x37: {  	_ =	swait.ge [sflag:s18], $0x3000  }
0x38: {  	[sflag:s18] =	ssyncset.done $0x0  }
0x39: {  	s23 =	simm.s32 $0x0;
	[sflag:s18] =	ssyncadd.s32 $0xFFFFD000  }
0x3a: {  	v63 =	vld [tilespmem:s23+$0x3600];
	_ =	sdelay $0x3  }
0x3b: {  	s22 =	simm.s32 $0xD618  }
0x3c: {  	[tilespmem:s22+$0xFFFFFFFC] =	vst v63  }
0x3d: {  	v0 =	vld [tilespmem:s23+$0x3604];
	_ =	sdelay $0x4  }
0x3e: {  	s24 =	simm.s32 $0x18;
	s23 =	simm.s32 $0xC0;
	[tilespmem:s22+$0x0] =	vst v0  }
.LBB2_4:
0x3f: {  	p0 =	sne.s32 s23, $0xBFA0;
	v0 =	vld [tilespmem:s24+$0x3600];
	_ =	sdelay $0x3  }
0x40: {  	s22 =	sadd.s32 $0x60, s22  }
0x41: {  	[tilespmem:s22+$0xFFFFFFFC] =	vst v0  }
0x42: {  	v0 =	vld [tilespmem:s24+$0x3604]  }
.Ltmp1:
0x43: {  	(pc) =	sbr.rel @p0 .LBB2_4-.Ltmp1, $2  }
0x44: {  	_ =	sdelay $0x2  }
0x45: {  	s24 =	sshra.s32 s23, $0x2;
	s23 =	sadd.s32 $0x60, s23;
	[tilespmem:s22+$0x0] =	vst v0  }
0x46: {  	v0 =	vld [tilespmem:s24+$0x3600];
	_ =	sdelay $0x3  }
0x47: {  	s22 =	sadd.s32 $0x60, s22  }
0x48: {  	[tilespmem:s22+$0xFFFFFFFC] =	vst v0  }
0x49: {  	v0 =	vld [tilespmem:s24+$0x3604];
	_ =	sdelay $0x4  }
0x4a: {  	[tilespmem:s22+$0x0] =	vst v0  }
0x4b: {  	_ =	swait.ge [sflag:s19], $0x7000  }
0x4c: {  	[sflag:s19] =	ssyncset.done $0x0  }
0x4d: {  	s23 =	simm.s32 $0x0;
	[sflag:s19] =	ssyncadd.s32 $0xFFFF9000  }
0x4e: {  	v63 =	vld [tilespmem:s23+$0x6600];
	_ =	sdelay $0x3  }
0x4f: {  	s22 =	simm.s32 $0xD64A  }
0x50: {  	[tilespmem:s22+$0xFFFFFFDE] =	vst v63  }
0x51: {  	v0 =	vld [tilespmem:s23+$0x6610];
	_ =	sdelay $0x4  }
0x52: {  	[tilespmem:s22+$0xFFFFFFEE] =	vst v0  }
0x53: {  	v0 =	vld [tilespmem:s23+$0x6620];
	_ =	sdelay $0x4  }
0x54: {  	[tilespmem:s22+$0xFFFFFFFE] =	vst v0  }
0x55: {  	v0 =	vld [tilespmem:s23+$0x6622];
	_ =	sdelay $0x4  }
0x56: {  	s24 =	simm.s32 $0x1C0;
	s23 =	simm.s32 $0x38;
	[tilespmem:s22+$0x0] =	vst v0  }
.LBB2_6:
0x57: {  	p0 =	sne.s32 s24, $0x1BF20;
	v0 =	vld [tilespmem:s23+$0x6600];
	_ =	sdelay $0x3  }
0x58: {  	s22 =	sadd.s32 $0x60, s22  }
0x59: {  	[tilespmem:s22+$0xFFFFFFDE] =	vst v0  }
0x5a: {  	v0 =	vld [tilespmem:s23+$0x6610];
	_ =	sdelay $0x4  }
0x5b: {  	[tilespmem:s22+$0xFFFFFFEE] =	vst v0  }
0x5c: {  	v0 =	vld [tilespmem:s23+$0x6620];
	_ =	sdelay $0x4  }
0x5d: {  	[tilespmem:s22+$0xFFFFFFFE] =	vst v0  }
0x5e: {  	v0 =	vld [tilespmem:s23+$0x6622]  }
.Ltmp2:
0x5f: {  	(pc) =	sbr.rel @p0 .LBB2_6-.Ltmp2, $2  }
0x60: {  	_ =	sdelay $0x2  }
0x61: {  	s23 =	sshra.s32 s24, $0x2;
	s24 =	sadd.s32 $0xE0, s24;
	[tilespmem:s22+$0x0] =	vst v0  }
0x62: {  	v0 =	vld [tilespmem:s23+$0x6600];
	_ =	sdelay $0x3  }
0x63: {  	s22 =	sadd.s32 $0x60, s22  }
0x64: {  	[tilespmem:s22+$0xFFFFFFDE] =	vst v0  }
0x65: {  	v0 =	vld [tilespmem:s23+$0x6610];
	_ =	sdelay $0x4  }
0x66: {  	[tilespmem:s22+$0xFFFFFFEE] =	vst v0  }
0x67: {  	v0 =	vld [tilespmem:s23+$0x6620];
	_ =	sdelay $0x4  }
0x68: {  	[tilespmem:s22+$0xFFFFFFFE] =	vst v0  }
0x69: {  	v0 =	vld [tilespmem:s23+$0x6622];
	_ =	sdelay $0x2  }
0x6a: {  	s21 =	sadd.s32 $0x1, s21  }
0x6b: {  	p0 =	sne.s32 s21, s10  }
.Ltmp3:
0x6c: {  	[tilespmem:s22+$0x0] =	vst v0;
	(pc) =	sbr.rel @p0 .LBB2_1-.Ltmp3, $4  }
0x6d: {  	[hbm4b:s9+s2] =	stream.linear.scatter [tilespmem:s20], [sflag:$0x4], $0xC000, $0x38;
	[tilespmem:$0x19600] =	vst v63  }
0x6e: {  	_ =	swait.ge [sflag:s11], $0xC000  }
0x6f: {  	[sflag:s11] =	ssyncset.done $0x0  }
0x70: {  	[sflag:s11] =	ssyncadd.s32 $0xFFFF4000  }
0x71: {  	_ =	sfence.sel $0x180000  }
0x72: {  	[bflag:$0x0] =	sbarrier.arrive $0xFFFF  }
0x73: {  	p0 =	sne.s32 s1, $0x0;
	_ =	strace $0x90000047  }
0x74: {  	s0 =	sadd.s32 @!p0 $0x100000, s0;
	[bflag:$0x2] =	sbarrier.arrive $0xFFFF  }
0x75: {  	[sflag:s0] =	ssyncadd.tile.s32 @!p0 $0x1;
	_ =	shalt  }
.Lfunc_end2:
_tile_overlayer_lowered:
.L_overlay_start_2:
0x76: {  	(tag) =	ssettag $0x2  }
0x77: {  	s0 =	rddreg [dreg:$0x0];
	s2 =	stileid.u32  }
0x78: {  	s1 =	rddreg [dreg:$0x1];
	p0 =	sne.s32 s2, $0x0  }
0x79: {  	s3 =	rddreg [dreg:$0x2];
	[bflag:$0x3] =	sbarrier.arrive $0xFFFF;
	s2 =	simm.s32 @!p0 $0x1C04  }
0x7a: {  	[timem:s3], [sflag:s2] =	dma.local @!p0 [hbm:s0], s1  }
0x7b: {  	s0 =	simm.s32 @!p0 $0x4  }
0x7c: {  	_ =	swait.ge @!p0 [sflag:s0], s1  }
0x7d: {  	s1 =	ssub.s32 @!p0 $0x0, s1;
	[sflag:s0] =	ssyncset.done @!p0 $0x0  }
0x7e: {  	[sflag:s0] =	ssyncadd.s32 @!p0 s1  }
0x7f: {  	[bflag:$0x3] =	sbarrier.arrive $0xFFFF  }
0x80: {  	_ =	shalt  }

</sc_bundles>
